<compile_context>
chip_gen: v7x
topology: tpu7x:2x2x1
jax: 0.10.2.dev20260603
libtpu: 0.0.44.dev20260713+nightly
codegen_flags: <defaults>
</compile_context>

<pallas_src>
import jax
import jax.numpy as jnp
from jax.experimental import pallas as pl
from jax.experimental.pallas import tpu as pltpu

TS = 16
B, N, H, W = 2, 8, 384, 384
C = 96
K = 128
TW = W // TS
GW = 3
BH = 32
NBLK = H // BH
TR = BH // TS


def _dense_body(act8_ref, ls_ref, mask_ref, ff_ref, out_ref):
    b = pl.program_id(0)
    hb = pl.program_id(1)
    x = ls_ref[0]
    strength = jnp.maximum(x, 0.0) + jnp.log(1.0 + jnp.exp(-jnp.abs(x)))
    sig = jnp.tanh(jnp.sum(ff_ref[0], axis=0) * (1.0 / C))
    j = jax.lax.broadcasted_iota(jnp.int32, (TS, 128), 1) // TS
    for tr in range(TR):
        for g in range(GW):
            bits = act8_ref[b, (hb * TR + tr) * GW + g]
            rs = slice(tr * TS, (tr + 1) * TS)
            cs = slice(g * 128, (g + 1) * 128)
            active = ((bits >> j) & 1) == 1
            delta = jnp.where(active, strength * sig[rs, cs], 0.0)
            out_ref[0, :, rs, cs] = mask_ref[0, :, rs, cs] + delta[None, :, :]


def kernel(mask_logits, ff_highres_features, log_strength, active_tile_indices):
    idx = jnp.asarray(active_tile_indices, jnp.int32)
    ls = jnp.asarray(log_strength, jnp.float32).reshape(1)
    bb = jnp.arange(B, dtype=jnp.int32)[:, None]
    tile_act = jnp.zeros((B, (H // TS) * TW), jnp.int32).at[bb, idx].max(1)
    act8 = jnp.sum(
        tile_act.reshape(B, H // TS, GW, 8) << jnp.arange(8, dtype=jnp.int32),
        axis=-1,
    ).reshape(B, (H // TS) * GW)

    return pl.pallas_call(
        _dense_body,
        grid=(B, NBLK),
        in_specs=[
            pl.BlockSpec(memory_space=pltpu.SMEM),
            pl.BlockSpec(memory_space=pltpu.SMEM),
            pl.BlockSpec((1, N, BH, W), lambda b, hb: (b, 0, hb, 0)),
            pl.BlockSpec((1, C, BH, W), lambda b, hb: (b, 0, hb, 0)),
        ],
        out_specs=pl.BlockSpec((1, N, BH, W), lambda b, hb: (b, 0, hb, 0)),
        out_shape=jax.ShapeDtypeStruct((B, N, H, W), jnp.float32),
    )(act8, ls, mask_logits, ff_highres_features)

# --- scband reference (transcript-rebuilt; emitter-appended) ---
"""Pipeline reference for scband-fftile-refinement-hook-84499186581641 (READ-ONLY COPY).

The authoritative reference and input builder live on the scoring server;
editing this copy changes nothing except your own understanding.
"""

import jax, jax.numpy as jnp
import numpy as np

TS = 16

def _pack(fm, idx, ts):
    # fm: [B,C,H,W], idx: [B,K] raster-order tile indices -> [B,K,C,ts,ts]
    B, C, H, W = fm.shape
    th, tw = H // ts, W // ts
    tiles = fm.reshape(B, C, th, ts, tw, ts).transpose(0, 2, 4, 1, 3, 5).reshape(B, th * tw, C, ts, ts)
    b = jnp.arange(B)[:, None]
    return tiles[b, idx]

def _unpack_override(base, packed, idx, ts):
    # base: [B,N,H,W], packed: [B,K,N,ts,ts] -> scatter-overwrite tiles back
    B, N, H, W = base.shape
    th, tw = H // ts, W // ts
    tiles = base.reshape(B, N, th, ts, tw, ts).transpose(0, 2, 4, 1, 3, 5).reshape(B, th * tw, N, ts, ts)
    b = jnp.arange(B)[:, None]
    tiles = tiles.at[b, idx].set(packed)
    out = tiles.reshape(B, th, tw, N, ts, ts).transpose(0, 3, 1, 4, 2, 5).reshape(B, N, H, W)
    return out

def setup_inputs(seed: int = 0) -> dict:
    key = jax.random.key(seed)
    k1, k2, k3 = jax.random.split(key, 3)
    B, N, H, W = 2, 8, 384, 384
    C = 96
    n_tiles = (H // TS) * (W // TS)  # 576
    mask_logits = jax.random.normal(k1, (B, N, H, W), dtype=jnp.float32)
    ff_highres_features = jax.random.normal(k2, (B, C, H, W), dtype=jnp.float32)
    active_tile_indices = jax.random.randint(k3, (B, 128), 0, n_tiles, dtype=jnp.int64)
    log_strength = jnp.asarray(0.5, dtype=jnp.float32)
    return {
        "mask_logits": mask_logits,
        "ff_highres_features": ff_highres_features,
        "log_strength": log_strength,
        "active_tile_indices": active_tile_indices,
    }

def reference(mask_logits, ff_highres_features, log_strength, active_tile_indices):
    ts = TS
    # ff already spatially aligned with mask_logits (H,W match) -> no interpolation
    ff_signal = jnp.tanh(jnp.mean(ff_highres_features, axis=1, keepdims=True))  # [B,1,H,W]
    mask_tiles = _pack(mask_logits, active_tile_indices, ts)  # [B,K,N,ts,ts]
    ff_tiles = _pack(ff_signal, active_tile_indices, ts)      # [B,K,1,ts,ts]
    strength = jax.nn.softplus(log_strength)
    N = mask_logits.shape[1]
    B, K = active_tile_indices.shape
    ff_delta = strength * jnp.broadcast_to(ff_tiles, (B, K, N, ts, ts))
    refined_tiles = mask_tiles + ff_delta
    refined_logits = _unpack_override(mask_logits, refined_tiles, active_tile_indices, ts)
    return refined_logits

if __name__ == "__main__":
    import jax
    _d = setup_inputs()
    print(jax.jit(kernel)(*tuple(_d.values())))

</pallas_src>

<mosaic_0001>
module attributes {stable_mosaic.version = 14 : i64} {
  func.func @_dense_body(%arg0: i32, %arg1: i32, %arg2: memref<2x72xi32, #tpu.memory_space<smem>>, %arg3: memref<1xf32, #tpu.memory_space<smem>>, %arg4: memref<1x8x32x384xf32, #tpu.memory_space<vmem>>, %arg5: memref<1x96x32x384xf32, #tpu.memory_space<vmem>>, %arg6: memref<1x8x32x384xf32, #tpu.memory_space<vmem>>) attributes {dimension_semantics = [#tpu.dimension_semantics<arbitrary>, #tpu.dimension_semantics<arbitrary>], iteration_bounds = array<i64: 2, 12>, scalar_prefetch = 0 : i64, scratch_operands = 0 : i64, tpu.core_type = #tpu.core_type<tc>, window_params = [{transform_indices = @transform_0, window_bounds = array<i64: 2, 72>}, {transform_indices = @transform_1, window_bounds = array<i64: 1>}, {transform_indices = @transform_2, window_bounds = array<i64: 1, 8, 32, 384>}, {transform_indices = @transform_3, window_bounds = array<i64: 1, 96, 32, 384>}, {transform_indices = @transform_4, window_bounds = array<i64: 1, 8, 32, 384>}]} {
    %get3A = arith.constant 0 : index
    %get3A_0 = memref.load %arg3[%get3A] : memref<1xf32, #tpu.memory_space<smem>>
    %max3A = arith.constant 0.000000e+00 : f32
    %max3A_1 = arith.maximumf %get3A_0, %max3A : f32
    %abs3A = math.absf %get3A_0 : f32
    %neg3A = arith.constant 0.000000e+00 : f32
    %neg3A_2 = arith.subf %neg3A, %abs3A : f32
    %exp3A = math.exp %neg3A_2 : f32
    %add3A = arith.constant 1.000000e+00 : f32
    %add3A_3 = arith.addf %add3A, %exp3A : f32
    %log3A = math.log %add3A_3 : f32
    %add3A_4 = arith.addf %max3A_1, %log3A : f32
    %get3A_5 = arith.constant 0 : index
    %get3A_6 = arith.constant 0 : index
    %get3A_7 = arith.constant 0 : index
    %get3A_8 = arith.constant 0 : index
    %get3A_9 = vector.load %arg5[%get3A_5, %get3A_6, %get3A_7, %get3A_8] : memref<1x96x32x384xf32, #tpu.memory_space<vmem>>, vector<1x96x32x384xf32>
    %get3A_10 = vector.shape_cast %get3A_9 : vector<1x96x32x384xf32> to vector<96x32x384xf32>
    %reduce_sum3A = arith.constant dense<0.000000e+00> : vector<32x384xf32>
    %reduce_sum3A_11 = vector.multi_reduction <add>, %get3A_10, %reduce_sum3A [0] : vector<96x32x384xf32> to vector<32x384xf32>
    %mul3A = arith.constant 0.010416667 : f32
    %mul3A_12 = vector.broadcast %mul3A : f32 to vector<32x384xf32>
    %mul3A_13 = arith.mulf %reduce_sum3A_11, %mul3A_12 : vector<32x384xf32>
    %tanh3A = math.tanh %mul3A_13 : vector<32x384xf32>
    %iota3A = tpu.iota {dimensions = array<i32: 1>} : vector<16x128xi32>
    %jit3A = arith.constant 16 : i32
    %div3A = vector.broadcast %jit3A : i32 to vector<16x128xi32>
    %div3A_14 = arith.divsi %iota3A, %div3A : vector<16x128xi32>
    %sign3A = arith.constant 0 : i32
    %sign3A_15 = vector.broadcast %sign3A : i32 to vector<16x128xi32>
    %sign3A_16 = arith.cmpi sgt, %iota3A, %sign3A_15 : vector<16x128xi32>
    %sign3A_17 = arith.extui %sign3A_16 : vector<16x128xi1> to vector<16x128xi32>
    %sign3A_18 = arith.constant 0 : i32
    %sign3A_19 = vector.broadcast %sign3A_18 : i32 to vector<16x128xi32>
    %sign3A_20 = arith.cmpi slt, %iota3A, %sign3A_19 : vector<16x128xi32>
    %sign3A_21 = arith.extui %sign3A_20 : vector<16x128xi1> to vector<16x128xi32>
    %sign3A_22 = arith.subi %sign3A_17, %sign3A_21 : vector<16x128xi32>
    %sign3A_23 = arith.constant 0 : i32
    %sign3A_24 = arith.cmpi sgt, %jit3A, %sign3A_23 : i32
    %sign3A_25 = arith.extui %sign3A_24 : i1 to i32
    %sign3A_26 = arith.constant 0 : i32
    %sign3A_27 = arith.cmpi slt, %jit3A, %sign3A_26 : i32
    %sign3A_28 = arith.extui %sign3A_27 : i1 to i32
    %sign3A_29 = arith.subi %sign3A_25, %sign3A_28 : i32
    %ne3A = vector.broadcast %sign3A_29 : i32 to vector<16x128xi32>
    %ne3A_30 = arith.cmpi ne, %sign3A_22, %ne3A : vector<16x128xi32>
    %rem3A = vector.broadcast %jit3A : i32 to vector<16x128xi32>
    %rem3A_31 = arith.remsi %iota3A, %rem3A : vector<16x128xi32>
    %ne3A_32 = arith.constant 0 : i32
    %ne3A_33 = vector.broadcast %ne3A_32 : i32 to vector<16x128xi32>
    %ne3A_34 = arith.cmpi ne, %rem3A_31, %ne3A_33 : vector<16x128xi32>
    %and3A = arith.andi %ne3A_30, %ne3A_34 : vector<16x128xi1>
    %sub3A = arith.constant 1 : i32
    %sub3A_35 = vector.broadcast %sub3A : i32 to vector<16x128xi32>
    %sub3A_36 = arith.subi %div3A_14, %sub3A_35 : vector<16x128xi32>
    %select_n3A = arith.select %and3A, %sub3A_36, %div3A_14 : vector<16x128xi1>, vector<16x128xi32>
    %mul3A_37 = arith.constant 2 : i32
    %mul3A_38 = arith.muli %arg1, %mul3A_37 : i32
    %add3A_39 = arith.constant 0 : i32
    %add3A_40 = arith.addi %mul3A_38, %add3A_39 : i32
    %mul3A_41 = arith.constant 3 : i32
    %mul3A_42 = arith.muli %add3A_40, %mul3A_41 : i32
    %add3A_43 = arith.constant 0 : i32
    %add3A_44 = arith.addi %mul3A_42, %add3A_43 : i32
    %get3A_45 = arith.index_cast %arg0 : i32 to index
    %get3A_46 = arith.index_cast %add3A_44 : i32 to index
    %get3A_47 = memref.load %arg2[%get3A_45, %get3A_46] : memref<2x72xi32, #tpu.memory_space<smem>>
    %shift_right_arithmetic3A = vector.broadcast %get3A_47 : i32 to vector<16x128xi32>
    %shift_right_arithmetic3A_48 = arith.shrsi %shift_right_arithmetic3A, %select_n3A : vector<16x128xi32>
    %and3A_49 = arith.constant 1 : i32
    %and3A_50 = vector.broadcast %and3A_49 : i32 to vector<16x128xi32>
    %and3A_51 = arith.andi %shift_right_arithmetic3A_48, %and3A_50 : vector<16x128xi32>
    %eq3A = arith.constant 1 : i32
    %eq3A_52 = vector.broadcast %eq3A : i32 to vector<16x128xi32>
    %eq3A_53 = arith.cmpi eq, %and3A_51, %eq3A_52 : vector<16x128xi32>
    %slice3A = vector.extract_strided_slice %tanh3A {offsets = [0, 0], sizes = [16, 128], strides = [1, 1]} : vector<32x384xf32> to vector<16x128xf32>
    %mul3A_54 = vector.broadcast %add3A_4 : f32 to vector<16x128xf32>
    %mul3A_55 = arith.mulf %mul3A_54, %slice3A : vector<16x128xf32>
    %jit3A_56 = arith.constant 0.000000e+00 : f32
    %broadcast_in_dim3A = vector.broadcast %jit3A_56 : f32 to vector<16x128xf32>
    %select_n3A_57 = arith.select %eq3A_53, %mul3A_55, %broadcast_in_dim3A : vector<16x128xi1>, vector<16x128xf32>
    %get3A_58 = arith.constant 0 : index
    %get3A_59 = arith.constant 0 : index
    %get3A_60 = arith.constant 0 : index
    %get3A_61 = arith.constant 0 : index
    %get3A_62 = vector.load %arg4[%get3A_58, %get3A_59, %get3A_60, %get3A_61] : memref<1x8x32x384xf32, #tpu.memory_space<vmem>>, vector<1x8x16x128xf32>
    %get3A_63 = vector.shape_cast %get3A_62 : vector<1x8x16x128xf32> to vector<8x16x128xf32>
    %broadcast_in_dim3A_64 = vector.shape_cast %select_n3A_57 : vector<16x128xf32> to vector<1x16x128xf32>
    %add3A_65 = vector.broadcast %broadcast_in_dim3A_64 : vector<1x16x128xf32> to vector<8x16x128xf32>
    %add3A_66 = arith.addf %get3A_63, %add3A_65 : vector<8x16x128xf32>
    %swap3A = arith.constant 0 : index
    %swap3A_67 = arith.constant 0 : index
    %swap3A_68 = arith.constant 0 : index
    %swap3A_69 = arith.constant 0 : index
    %swap3A_70 = vector.load %arg6[%swap3A, %swap3A_67, %swap3A_68, %swap3A_69] : memref<1x8x32x384xf32, #tpu.memory_space<vmem>>, vector<1x8x16x128xf32>
    %swap3A_71 = vector.shape_cast %swap3A_70 : vector<1x8x16x128xf32> to vector<8x16x128xf32>
    %swap3A_72 = vector.shape_cast %add3A_66 : vector<8x16x128xf32> to vector<1x8x16x128xf32>
    tpu.vector_store %arg6[%swap3A, %swap3A_67, %swap3A_68, %swap3A_69], %swap3A_72 {strides = array<i32>} : memref<1x8x32x384xf32, #tpu.memory_space<vmem>>, vector<1x8x16x128xf32>,
    %mul3A_73 = arith.constant 2 : i32
    %mul3A_74 = arith.muli %arg1, %mul3A_73 : i32
    %add3A_75 = arith.constant 0 : i32
    %add3A_76 = arith.addi %mul3A_74, %add3A_75 : i32
    %mul3A_77 = arith.constant 3 : i32
    %mul3A_78 = arith.muli %add3A_76, %mul3A_77 : i32
    %add3A_79 = arith.constant 1 : i32
    %add3A_80 = arith.addi %mul3A_78, %add3A_79 : i32
    %get3A_81 = arith.index_cast %arg0 : i32 to index
    %get3A_82 = arith.index_cast %add3A_80 : i32 to index
    %get3A_83 = memref.load %arg2[%get3A_81, %get3A_82] : memref<2x72xi32, #tpu.memory_space<smem>>
    %shift_right_arithmetic3A_84 = vector.broadcast %get3A_83 : i32 to vector<16x128xi32>
    %shift_right_arithmetic3A_85 = arith.shrsi %shift_right_arithmetic3A_84, %select_n3A : vector<16x128xi32>
    %and3A_86 = arith.constant 1 : i32
    %and3A_87 = vector.broadcast %and3A_86 : i32 to vector<16x128xi32>
    %and3A_88 = arith.andi %shift_right_arithmetic3A_85, %and3A_87 : vector<16x128xi32>
    %eq3A_89 = arith.constant 1 : i32
    %eq3A_90 = vector.broadcast %eq3A_89 : i32 to vector<16x128xi32>
    %eq3A_91 = arith.cmpi eq, %and3A_88, %eq3A_90 : vector<16x128xi32>
    %slice3A_92 = vector.extract_strided_slice %tanh3A {offsets = [0, 128], sizes = [16, 128], strides = [1, 1]} : vector<32x384xf32> to vector<16x128xf32>
    %mul3A_93 = vector.broadcast %add3A_4 : f32 to vector<16x128xf32>
    %mul3A_94 = arith.mulf %mul3A_93, %slice3A_92 : vector<16x128xf32>
    %jit3A_95 = arith.constant 0.000000e+00 : f32
    %broadcast_in_dim3A_96 = vector.broadcast %jit3A_95 : f32 to vector<16x128xf32>
    %select_n3A_97 = arith.select %eq3A_91, %mul3A_94, %broadcast_in_dim3A_96 : vector<16x128xi1>, vector<16x128xf32>
    %get3A_98 = arith.constant 0 : index
    %get3A_99 = arith.constant 0 : index
    %get3A_100 = arith.constant 0 : index
    %get3A_101 = arith.constant 128 : index
    %get3A_102 = vector.load %arg4[%get3A_98, %get3A_99, %get3A_100, %get3A_101] : memref<1x8x32x384xf32, #tpu.memory_space<vmem>>, vector<1x8x16x128xf32>
    %get3A_103 = vector.shape_cast %get3A_102 : vector<1x8x16x128xf32> to vector<8x16x128xf32>
    %broadcast_in_dim3A_104 = vector.shape_cast %select_n3A_97 : vector<16x128xf32> to vector<1x16x128xf32>
    %add3A_105 = vector.broadcast %broadcast_in_dim3A_104 : vector<1x16x128xf32> to vector<8x16x128xf32>
    %add3A_106 = arith.addf %get3A_103, %add3A_105 : vector<8x16x128xf32>
    %swap3A_107 = arith.constant 0 : index
    %swap3A_108 = arith.constant 0 : index
    %swap3A_109 = arith.constant 0 : index
    %swap3A_110 = arith.constant 128 : index
    %swap3A_111 = vector.load %arg6[%swap3A_107, %swap3A_108, %swap3A_109, %swap3A_110] : memref<1x8x32x384xf32, #tpu.memory_space<vmem>>, vector<1x8x16x128xf32>
    %swap3A_112 = vector.shape_cast %swap3A_111 : vector<1x8x16x128xf32> to vector<8x16x128xf32>
    %swap3A_113 = vector.shape_cast %add3A_106 : vector<8x16x128xf32> to vector<1x8x16x128xf32>
    tpu.vector_store %arg6[%swap3A_107, %swap3A_108, %swap3A_109, %swap3A_110], %swap3A_113 {strides = array<i32>} : memref<1x8x32x384xf32, #tpu.memory_space<vmem>>, vector<1x8x16x128xf32>,
    %mul3A_114 = arith.constant 2 : i32
    %mul3A_115 = arith.muli %arg1, %mul3A_114 : i32
    %add3A_116 = arith.constant 0 : i32
    %add3A_117 = arith.addi %mul3A_115, %add3A_116 : i32
    %mul3A_118 = arith.constant 3 : i32
    %mul3A_119 = arith.muli %add3A_117, %mul3A_118 : i32
    %add3A_120 = arith.constant 2 : i32
    %add3A_121 = arith.addi %mul3A_119, %add3A_120 : i32
    %get3A_122 = arith.index_cast %arg0 : i32 to index
    %get3A_123 = arith.index_cast %add3A_121 : i32 to index
    %get3A_124 = memref.load %arg2[%get3A_122, %get3A_123] : memref<2x72xi32, #tpu.memory_space<smem>>
    %shift_right_arithmetic3A_125 = vector.broadcast %get3A_124 : i32 to vector<16x128xi32>
    %shift_right_arithmetic3A_126 = arith.shrsi %shift_right_arithmetic3A_125, %select_n3A : vector<16x128xi32>
    %and3A_127 = arith.constant 1 : i32
    %and3A_128 = vector.broadcast %and3A_127 : i32 to vector<16x128xi32>
    %and3A_129 = arith.andi %shift_right_arithmetic3A_126, %and3A_128 : vector<16x128xi32>
    %eq3A_130 = arith.constant 1 : i32
    %eq3A_131 = vector.broadcast %eq3A_130 : i32 to vector<16x128xi32>
    %eq3A_132 = arith.cmpi eq, %and3A_129, %eq3A_131 : vector<16x128xi32>
    %slice3A_133 = vector.extract_strided_slice %tanh3A {offsets = [0, 256], sizes = [16, 128], strides = [1, 1]} : vector<32x384xf32> to vector<16x128xf32>
    %mul3A_134 = vector.broadcast %add3A_4 : f32 to vector<16x128xf32>
    %mul3A_135 = arith.mulf %mul3A_134, %slice3A_133 : vector<16x128xf32>
    %jit3A_136 = arith.constant 0.000000e+00 : f32
    %broadcast_in_dim3A_137 = vector.broadcast %jit3A_136 : f32 to vector<16x128xf32>
    %select_n3A_138 = arith.select %eq3A_132, %mul3A_135, %broadcast_in_dim3A_137 : vector<16x128xi1>, vector<16x128xf32>
    %get3A_139 = arith.constant 0 : index
    %get3A_140 = arith.constant 0 : index
    %get3A_141 = arith.constant 0 : index
    %get3A_142 = arith.constant 256 : index
    %get3A_143 = vector.load %arg4[%get3A_139, %get3A_140, %get3A_141, %get3A_142] : memref<1x8x32x384xf32, #tpu.memory_space<vmem>>, vector<1x8x16x128xf32>
    %get3A_144 = vector.shape_cast %get3A_143 : vector<1x8x16x128xf32> to vector<8x16x128xf32>
    %broadcast_in_dim3A_145 = vector.shape_cast %select_n3A_138 : vector<16x128xf32> to vector<1x16x128xf32>
    %add3A_146 = vector.broadcast %broadcast_in_dim3A_145 : vector<1x16x128xf32> to vector<8x16x128xf32>
    %add3A_147 = arith.addf %get3A_144, %add3A_146 : vector<8x16x128xf32>
    %swap3A_148 = arith.constant 0 : index
    %swap3A_149 = arith.constant 0 : index
    %swap3A_150 = arith.constant 0 : index
    %swap3A_151 = arith.constant 256 : index
    %swap3A_152 = vector.load %arg6[%swap3A_148, %swap3A_149, %swap3A_150, %swap3A_151] : memref<1x8x32x384xf32, #tpu.memory_space<vmem>>, vector<1x8x16x128xf32>
    %swap3A_153 = vector.shape_cast %swap3A_152 : vector<1x8x16x128xf32> to vector<8x16x128xf32>
    %swap3A_154 = vector.shape_cast %add3A_147 : vector<8x16x128xf32> to vector<1x8x16x128xf32>
    tpu.vector_store %arg6[%swap3A_148, %swap3A_149, %swap3A_150, %swap3A_151], %swap3A_154 {strides = array<i32>} : memref<1x8x32x384xf32, #tpu.memory_space<vmem>>, vector<1x8x16x128xf32>,
    %mul3A_155 = arith.constant 2 : i32
    %mul3A_156 = arith.muli %arg1, %mul3A_155 : i32
    %add3A_157 = arith.constant 1 : i32
    %add3A_158 = arith.addi %mul3A_156, %add3A_157 : i32
    %mul3A_159 = arith.constant 3 : i32
    %mul3A_160 = arith.muli %add3A_158, %mul3A_159 : i32
    %add3A_161 = arith.constant 0 : i32
    %add3A_162 = arith.addi %mul3A_160, %add3A_161 : i32
    %get3A_163 = arith.index_cast %arg0 : i32 to index
    %get3A_164 = arith.index_cast %add3A_162 : i32 to index
    %get3A_165 = memref.load %arg2[%get3A_163, %get3A_164] : memref<2x72xi32, #tpu.memory_space<smem>>
    %shift_right_arithmetic3A_166 = vector.broadcast %get3A_165 : i32 to vector<16x128xi32>
    %shift_right_arithmetic3A_167 = arith.shrsi %shift_right_arithmetic3A_166, %select_n3A : vector<16x128xi32>
    %and3A_168 = arith.constant 1 : i32
    %and3A_169 = vector.broadcast %and3A_168 : i32 to vector<16x128xi32>
    %and3A_170 = arith.andi %shift_right_arithmetic3A_167, %and3A_169 : vector<16x128xi32>
    %eq3A_171 = arith.constant 1 : i32
    %eq3A_172 = vector.broadcast %eq3A_171 : i32 to vector<16x128xi32>
    %eq3A_173 = arith.cmpi eq, %and3A_170, %eq3A_172 : vector<16x128xi32>
    %slice3A_174 = vector.extract_strided_slice %tanh3A {offsets = [16, 0], sizes = [16, 128], strides = [1, 1]} : vector<32x384xf32> to vector<16x128xf32>
    %mul3A_175 = vector.broadcast %add3A_4 : f32 to vector<16x128xf32>
    %mul3A_176 = arith.mulf %mul3A_175, %slice3A_174 : vector<16x128xf32>
    %jit3A_177 = arith.constant 0.000000e+00 : f32
    %broadcast_in_dim3A_178 = vector.broadcast %jit3A_177 : f32 to vector<16x128xf32>
    %select_n3A_179 = arith.select %eq3A_173, %mul3A_176, %broadcast_in_dim3A_178 : vector<16x128xi1>, vector<16x128xf32>
    %get3A_180 = arith.constant 0 : index
    %get3A_181 = arith.constant 0 : index
    %get3A_182 = arith.constant 16 : index
    %get3A_183 = arith.constant 0 : index
    %get3A_184 = vector.load %arg4[%get3A_180, %get3A_181, %get3A_182, %get3A_183] : memref<1x8x32x384xf32, #tpu.memory_space<vmem>>, vector<1x8x16x128xf32>
    %get3A_185 = vector.shape_cast %get3A_184 : vector<1x8x16x128xf32> to vector<8x16x128xf32>
    %broadcast_in_dim3A_186 = vector.shape_cast %select_n3A_179 : vector<16x128xf32> to vector<1x16x128xf32>
    %add3A_187 = vector.broadcast %broadcast_in_dim3A_186 : vector<1x16x128xf32> to vector<8x16x128xf32>
    %add3A_188 = arith.addf %get3A_185, %add3A_187 : vector<8x16x128xf32>
    %swap3A_189 = arith.constant 0 : index
    %swap3A_190 = arith.constant 0 : index
    %swap3A_191 = arith.constant 16 : index
    %swap3A_192 = arith.constant 0 : index
    %swap3A_193 = vector.load %arg6[%swap3A_189, %swap3A_190, %swap3A_191, %swap3A_192] : memref<1x8x32x384xf32, #tpu.memory_space<vmem>>, vector<1x8x16x128xf32>
    %swap3A_194 = vector.shape_cast %swap3A_193 : vector<1x8x16x128xf32> to vector<8x16x128xf32>
    %swap3A_195 = vector.shape_cast %add3A_188 : vector<8x16x128xf32> to vector<1x8x16x128xf32>
    tpu.vector_store %arg6[%swap3A_189, %swap3A_190, %swap3A_191, %swap3A_192], %swap3A_195 {strides = array<i32>} : memref<1x8x32x384xf32, #tpu.memory_space<vmem>>, vector<1x8x16x128xf32>,
    %mul3A_196 = arith.constant 2 : i32
    %mul3A_197 = arith.muli %arg1, %mul3A_196 : i32
    %add3A_198 = arith.constant 1 : i32
    %add3A_199 = arith.addi %mul3A_197, %add3A_198 : i32
    %mul3A_200 = arith.constant 3 : i32
    %mul3A_201 = arith.muli %add3A_199, %mul3A_200 : i32
    %add3A_202 = arith.constant 1 : i32
    %add3A_203 = arith.addi %mul3A_201, %add3A_202 : i32
    %get3A_204 = arith.index_cast %arg0 : i32 to index
    %get3A_205 = arith.index_cast %add3A_203 : i32 to index
    %get3A_206 = memref.load %arg2[%get3A_204, %get3A_205] : memref<2x72xi32, #tpu.memory_space<smem>>
    %shift_right_arithmetic3A_207 = vector.broadcast %get3A_206 : i32 to vector<16x128xi32>
    %shift_right_arithmetic3A_208 = arith.shrsi %shift_right_arithmetic3A_207, %select_n3A : vector<16x128xi32>
    %and3A_209 = arith.constant 1 : i32
    %and3A_210 = vector.broadcast %and3A_209 : i32 to vector<16x128xi32>
    %and3A_211 = arith.andi %shift_right_arithmetic3A_208, %and3A_210 : vector<16x128xi32>
    %eq3A_212 = arith.constant 1 : i32
    %eq3A_213 = vector.broadcast %eq3A_212 : i32 to vector<16x128xi32>
    %eq3A_214 = arith.cmpi eq, %and3A_211, %eq3A_213 : vector<16x128xi32>
    %slice3A_215 = vector.extract_strided_slice %tanh3A {offsets = [16, 128], sizes = [16, 128], strides = [1, 1]} : vector<32x384xf32> to vector<16x128xf32>
    %mul3A_216 = vector.broadcast %add3A_4 : f32 to vector<16x128xf32>
    %mul3A_217 = arith.mulf %mul3A_216, %slice3A_215 : vector<16x128xf32>
    %jit3A_218 = arith.constant 0.000000e+00 : f32
    %broadcast_in_dim3A_219 = vector.broadcast %jit3A_218 : f32 to vector<16x128xf32>
    %select_n3A_220 = arith.select %eq3A_214, %mul3A_217, %broadcast_in_dim3A_219 : vector<16x128xi1>, vector<16x128xf32>
    %get3A_221 = arith.constant 0 : index
    %get3A_222 = arith.constant 0 : index
    %get3A_223 = arith.constant 16 : index
    %get3A_224 = arith.constant 128 : index
    %get3A_225 = vector.load %arg4[%get3A_221, %get3A_222, %get3A_223, %get3A_224] : memref<1x8x32x384xf32, #tpu.memory_space<vmem>>, vector<1x8x16x128xf32>
    %get3A_226 = vector.shape_cast %get3A_225 : vector<1x8x16x128xf32> to vector<8x16x128xf32>
    %broadcast_in_dim3A_227 = vector.shape_cast %select_n3A_220 : vector<16x128xf32> to vector<1x16x128xf32>
    %add3A_228 = vector.broadcast %broadcast_in_dim3A_227 : vector<1x16x128xf32> to vector<8x16x128xf32>
    %add3A_229 = arith.addf %get3A_226, %add3A_228 : vector<8x16x128xf32>
    %swap3A_230 = arith.constant 0 : index
    %swap3A_231 = arith.constant 0 : index
    %swap3A_232 = arith.constant 16 : index
    %swap3A_233 = arith.constant 128 : index
    %swap3A_234 = vector.load %arg6[%swap3A_230, %swap3A_231, %swap3A_232, %swap3A_233] : memref<1x8x32x384xf32, #tpu.memory_space<vmem>>, vector<1x8x16x128xf32>
    %swap3A_235 = vector.shape_cast %swap3A_234 : vector<1x8x16x128xf32> to vector<8x16x128xf32>
    %swap3A_236 = vector.shape_cast %add3A_229 : vector<8x16x128xf32> to vector<1x8x16x128xf32>
    tpu.vector_store %arg6[%swap3A_230, %swap3A_231, %swap3A_232, %swap3A_233], %swap3A_236 {strides = array<i32>} : memref<1x8x32x384xf32, #tpu.memory_space<vmem>>, vector<1x8x16x128xf32>,
    %mul3A_237 = arith.constant 2 : i32
    %mul3A_238 = arith.muli %arg1, %mul3A_237 : i32
    %add3A_239 = arith.constant 1 : i32
    %add3A_240 = arith.addi %mul3A_238, %add3A_239 : i32
    %mul3A_241 = arith.constant 3 : i32
    %mul3A_242 = arith.muli %add3A_240, %mul3A_241 : i32
    %add3A_243 = arith.constant 2 : i32
    %add3A_244 = arith.addi %mul3A_242, %add3A_243 : i32
    %get3A_245 = arith.index_cast %arg0 : i32 to index
    %get3A_246 = arith.index_cast %add3A_244 : i32 to index
    %get3A_247 = memref.load %arg2[%get3A_245, %get3A_246] : memref<2x72xi32, #tpu.memory_space<smem>>
    %shift_right_arithmetic3A_248 = vector.broadcast %get3A_247 : i32 to vector<16x128xi32>
    %shift_right_arithmetic3A_249 = arith.shrsi %shift_right_arithmetic3A_248, %select_n3A : vector<16x128xi32>
    %and3A_250 = arith.constant 1 : i32
    %and3A_251 = vector.broadcast %and3A_250 : i32 to vector<16x128xi32>
    %and3A_252 = arith.andi %shift_right_arithmetic3A_249, %and3A_251 : vector<16x128xi32>
    %eq3A_253 = arith.constant 1 : i32
    %eq3A_254 = vector.broadcast %eq3A_253 : i32 to vector<16x128xi32>
    %eq3A_255 = arith.cmpi eq, %and3A_252, %eq3A_254 : vector<16x128xi32>
    %slice3A_256 = vector.extract_strided_slice %tanh3A {offsets = [16, 256], sizes = [16, 128], strides = [1, 1]} : vector<32x384xf32> to vector<16x128xf32>
    %mul3A_257 = vector.broadcast %add3A_4 : f32 to vector<16x128xf32>
    %mul3A_258 = arith.mulf %mul3A_257, %slice3A_256 : vector<16x128xf32>
    %jit3A_259 = arith.constant 0.000000e+00 : f32
    %broadcast_in_dim3A_260 = vector.broadcast %jit3A_259 : f32 to vector<16x128xf32>
    %select_n3A_261 = arith.select %eq3A_255, %mul3A_258, %broadcast_in_dim3A_260 : vector<16x128xi1>, vector<16x128xf32>
    %get3A_262 = arith.constant 0 : index
    %get3A_263 = arith.constant 0 : index
    %get3A_264 = arith.constant 16 : index
    %get3A_265 = arith.constant 256 : index
    %get3A_266 = vector.load %arg4[%get3A_262, %get3A_263, %get3A_264, %get3A_265] : memref<1x8x32x384xf32, #tpu.memory_space<vmem>>, vector<1x8x16x128xf32>
    %get3A_267 = vector.shape_cast %get3A_266 : vector<1x8x16x128xf32> to vector<8x16x128xf32>
    %broadcast_in_dim3A_268 = vector.shape_cast %select_n3A_261 : vector<16x128xf32> to vector<1x16x128xf32>
    %add3A_269 = vector.broadcast %broadcast_in_dim3A_268 : vector<1x16x128xf32> to vector<8x16x128xf32>
    %add3A_270 = arith.addf %get3A_267, %add3A_269 : vector<8x16x128xf32>
    %swap3A_271 = arith.constant 0 : index
    %swap3A_272 = arith.constant 0 : index
    %swap3A_273 = arith.constant 16 : index
    %swap3A_274 = arith.constant 256 : index
    %swap3A_275 = vector.load %arg6[%swap3A_271, %swap3A_272, %swap3A_273, %swap3A_274] : memref<1x8x32x384xf32, #tpu.memory_space<vmem>>, vector<1x8x16x128xf32>
    %swap3A_276 = vector.shape_cast %swap3A_275 : vector<1x8x16x128xf32> to vector<8x16x128xf32>
    %swap3A_277 = vector.shape_cast %add3A_270 : vector<8x16x128xf32> to vector<1x8x16x128xf32>
    tpu.vector_store %arg6[%swap3A_271, %swap3A_272, %swap3A_273, %swap3A_274], %swap3A_277 {strides = array<i32>} : memref<1x8x32x384xf32, #tpu.memory_space<vmem>>, vector<1x8x16x128xf32>,
    return
  }
  func.func @transform_0(%arg0: i32, %arg1: i32) -> (i32, i32) {
    %c0_i32 = arith.constant 0 : i32
    %c0_i32_0 = arith.constant 0 : i32
    %c0_i32_1 = arith.constant 0 : i32
    return %c0_i32, %c0_i32_0 : i32, i32
  }
  func.func @transform_1(%arg0: i32, %arg1: i32) -> i32 {
    %c0_i32 = arith.constant 0 : i32
    %c0_i32_0 = arith.constant 0 : i32
    return %c0_i32 : i32
  }
  func.func @transform_2(%arg0: i32, %arg1: i32) -> (i32, i32, i32, i32) {
    %c0_i32 = arith.constant 0 : i32
    %c0_i32_0 = arith.constant 0 : i32
    %c0_i32_1 = arith.constant 0 : i32
    return %arg0, %c0_i32, %arg1, %c0_i32_0 : i32, i32, i32, i32
  }
  func.func @transform_3(%arg0: i32, %arg1: i32) -> (i32, i32, i32, i32) {
    %c0_i32 = arith.constant 0 : i32
    %c0_i32_0 = arith.constant 0 : i32
    %c0_i32_1 = arith.constant 0 : i32
    return %arg0, %c0_i32, %arg1, %c0_i32_0 : i32, i32, i32, i32
  }
  func.func @transform_4(%arg0: i32, %arg1: i32) -> (i32, i32, i32, i32) {
    %c0_i32 = arith.constant 0 : i32
    %c0_i32_0 = arith.constant 0 : i32
    %c0_i32_1 = arith.constant 0 : i32
    return %arg0, %c0_i32, %arg1, %c0_i32_0 : i32, i32, i32, i32
  }
}

</mosaic_0001>

<sc_bundles>
// kernel: scatter_offload_async_start
scs
__scs_entry_jumppad:
0x0: {  	(pc) =	sbr.rel $0x88, $3  }
0x1: {  	(tag) =	ssettag $0x0;
	lr =	simm.s32 $0x1  }
0x2: {  	[smem:$0x3F9D] =	sst lr;
	_ =	strace $0xD0000000  }
0x3: {  	_ = 	snop  }
0x4: {  	_ = 	snop  }
0x5: {  	_ = 	snop  }
0x6: {  	_ = 	snop  }
0x7: {  	_ = 	snop  }
__scs_overlays_trampoline_lowered:
0x8: {  	[smem:$0x3FAC] =	sst s0  }
0x9: {  	[smem:$0x3FAD] =	sst s1  }
0xa: {  	[smem:$0x3FAE] =	sst s2  }
0xb: {  	[smem:$0x3FAF] =	sst s3  }
0xc: {  	[smem:$0x3FB0] =	sst s4  }
0xd: {  	[smem:$0x3FB1] =	sst s5  }
0xe: {  	[smem:$0x3FB2] =	sst s6  }
0xf: {  	[smem:$0x3FB3] =	sst s7  }
0x10: {  	[smem:$0x3FB4] =	sst s8  }
0x11: {  	[smem:$0x3FB5] =	sst s9;
	s0 =	simm.s32 @!p0 $0x0  }
0x12: {  	s1 =	sld [smem:$0x3F9B];
	s0 =	simm.s32 @p0 $0x1  }
0x13: {  	[smem:$0x3FB6] =	sst s0;
	s0 =	simm.s32 @!p1 $0x0  }
0x14: {  	s2 =	sld [smem:$0x3F9A];
	s0 =	simm.s32 @p1 $0x1  }
0x15: {  	[smem:$0x3FB7] =	sst s0;
	s0 =	simm.s32 @!p2 $0x0  }
0x16: {  	s3 =	sld [smem:$0x3FDB];
	s0 =	simm.s32 @p2 $0x1  }
0x17: {  	s4 =	simm.s32 $0x1BF5;
	[smem:$0x3FB9] =	sst s0  }
0x18: {  	s0 =	sld [smem:$0x3F9C];
	_ =	swait.ge [sflag:s4], $0x0  }
0x19: {  	s7 =	sld [smem:$0x3F9D]  }
0x1a: {  	s8 =	sadd.s32 $0xFFFFE003, lr  }
0x1b: {  	s9 =	sadd.s32 $0xFFFFFEF7, lr;
	s5 =	simm.s32 $0xFFFFFFFF;
	p2 =	slt.u32 s8, $0xFFFFF086  }
0x1c: {  	p1 =	slt.u32 s9, $0xF7A;
	s5 =	simm.s32 @!p2 $0x0  }
0x1d: {  	s5 =	simm.s32 @p1 $0x1;
	p0 =	seq.s32 s7, s2  }
0x1e: {  	s7 =	smul.u32 @!p0 $0xF7A, s2;
	p2 =	seq.s32 @!p0 s5, $0x0  }
0x1f: {  	s9 =	smul.u32 $0xF7A, s1;
	s8 =	simm.s32 @!p0 $0x1BF5;
	p2 =	por !p2, p0  }
0x20: {  	[sflag:s8] =	ssyncset.s32 @!p0 $0xFFFFF086;
	s6 =	sadd.s32 @!p0 s3, s7;
	s7 =	simm.s32 @!p0 $0x108  }
0x21: {  	s3 =	sadd.s32 s3, s9;
	s6 =	sadd.s32 @!p0 $0x88, s6;
	s7 =	simm.s32 @p2 $0x1082  }
0x22: {  	[simem:s7], [sflag:s8] =	dma.local @!p0 [hbm:s6], $0xF7A  }
0x23: {  	s9 =	sor.u32 $0xD0000000, s2;
	s6 =	simm.s32 $0x108;
	_ =	swait.ge @!p0 [sflag:s8], $0x0  }
0x24: {  	s3 =	sadd.s32 $0x88, s3;
	s6 =	simm.s32 @!p1 $0x1082;
	[sflag:s4] =	ssyncset.s32 $0xFFFFF086  }
0x25: {  	[simem:s6], [sflag:s4] =	dma.local [hbm:s3], $0xF7A  }
0x26: {  	[smem:$0x3F9D] =	sst s1;
	(tag) =	ssettag s2;
	_ =	strace s9  }
0x27: {  	s1 =	sld [smem:$0x3FAD]  }
0x28: {  	s2 =	sld [smem:$0x3FAE]  }
0x29: {  	s4 =	sld [smem:$0x3FB0]  }
0x2a: {  	p0 =	seq.s32 s5, $0x0;
	s5 =	sld [smem:$0x3FB1]  }
0x2b: {  	s6 =	sld [smem:$0x3FB2]  }
0x2c: {  	s7 =	sld [smem:$0x3FB3]  }
0x2d: {  	s3 =	simm.s32 $0x108;
	s8 =	sld [smem:$0x3FB4]  }
0x2e: {  	s3 =	simm.s32 @!p0 $0x1082;
	s9 =	sld [smem:$0x3FB5]  }
0x2f: {  	lr =	sadd.s32 s0, s3;
	s0 =	sld [smem:$0x3FAC]  }
0x30: {  	s3 =	sld [smem:$0x3FAF]  }
0x31: {  	[smem:$0x3FB8] =	sst s10  }
0x32: {  	s10 =	sld [smem:$0x3FB6];
	_ =	sdelay $0x3  }
0x33: {  	p0 =	seq.s32 s10, $0x1;
	s10 =	sld [smem:$0x3FB8];
	_ =	sdelay $0x3  }
0x34: {  	[smem:$0x3FB8] =	sst s10  }
0x35: {  	s10 =	sld [smem:$0x3FB7];
	_ =	sdelay $0x3  }
0x36: {  	p1 =	seq.s32 s10, $0x1;
	s10 =	sld [smem:$0x3FB8];
	_ =	sdelay $0x3  }
0x37: {  	[smem:$0x3FB8] =	sst s10  }
0x38: {  	s10 =	sld [smem:$0x3FB9]  }
0x39: {  	_ = 	snop;
	(pc) =	sbr.ind lr, $3  }
0x3a: {  	_ = 	snop  }
0x3b: {  	_ = 	snop  }
0x3c: {  	p2 =	seq.s32 s10, $0x1;
	s10 =	sld [smem:$0x3FB8]  }
0x3d: {  	_ =	shalt  }
0x3e: {  	_ =	shalt  }
0x3f: {  	_ =	shalt  }
0x40: {  	_ =	shalt  }
0x41: {  	_ =	shalt  }
0x42: {  	_ =	shalt  }
0x43: {  	_ =	shalt  }
0x44: {  	_ =	shalt  }
0x45: {  	_ =	shalt  }
0x46: {  	_ =	shalt  }
0x47: {  	_ =	shalt  }
0x48: {  	_ =	shalt  }
0x49: {  	_ =	shalt  }
0x4a: {  	_ =	shalt  }
0x4b: {  	_ =	shalt  }
0x4c: {  	_ =	shalt  }
0x4d: {  	_ =	shalt  }
0x4e: {  	_ =	shalt  }
0x4f: {  	_ =	shalt  }
0x50: {  	_ =	shalt  }
0x51: {  	_ =	shalt  }
0x52: {  	_ =	shalt  }
0x53: {  	_ =	shalt  }
0x54: {  	_ =	shalt  }
0x55: {  	_ =	shalt  }
0x56: {  	_ =	shalt  }
0x57: {  	_ =	shalt  }
0x58: {  	_ =	shalt  }
0x59: {  	_ =	shalt  }
0x5a: {  	_ =	shalt  }
0x5b: {  	_ =	shalt  }
0x5c: {  	_ =	shalt  }
0x5d: {  	_ =	shalt  }
0x5e: {  	_ =	shalt  }
0x5f: {  	_ =	shalt  }
0x60: {  	_ =	shalt  }
0x61: {  	_ =	shalt  }
0x62: {  	_ =	shalt  }
0x63: {  	_ =	shalt  }
0x64: {  	_ =	shalt  }
0x65: {  	_ =	shalt  }
0x66: {  	_ =	shalt  }
0x67: {  	_ =	shalt  }
0x68: {  	_ =	shalt  }
0x69: {  	_ =	shalt  }
0x6a: {  	_ =	shalt  }
0x6b: {  	_ =	shalt  }
0x6c: {  	_ =	shalt  }
0x6d: {  	_ =	shalt  }
0x6e: {  	_ =	shalt  }
0x6f: {  	_ =	shalt  }
0x70: {  	_ =	shalt  }
0x71: {  	_ =	shalt  }
0x72: {  	_ =	shalt  }
0x73: {  	_ =	shalt  }
0x74: {  	_ =	shalt  }
0x75: {  	_ =	shalt  }
0x76: {  	_ =	shalt  }
0x77: {  	_ =	shalt  }
0x78: {  	_ =	shalt  }
0x79: {  	_ =	shalt  }
0x7a: {  	_ =	shalt  }
0x7b: {  	_ =	shalt  }
0x7c: {  	_ =	shalt  }
0x7d: {  	_ =	shalt  }
0x7e: {  	_ =	shalt  }
0x7f: {  	_ =	shalt  }
0x80: {  	_ =	shalt  }
0x81: {  	_ =	shalt  }
0x82: {  	_ =	shalt  }
0x83: {  	_ =	shalt  }
0x84: {  	_ =	shalt  }
0x85: {  	_ =	shalt  }
0x86: {  	_ =	shalt  }
0x87: {  	_ =	shalt  }
.Lfunc_end0:
.L_simem_size_0:
called_computation_lowered:
.L_overlay_start_0:
0x88: {  	s0 =	sld [smem:$0x3FD9]  }
0x89: {  	s1 =	sld [smem:$0x3FFE];
	_ =	sdelay $0x3  }
0x8a: {  	s0 =	sadd.s32 s1, s0  }
0x8b: {  	[smem:$0x3FC4] =	sst s0  }
0x8c: {  	_ = 	snop  }
0x8d: {  	s0 =	sld [smem:$0x3FD0];
	(tm) =	ssettm $0x1  }
0x8e: {  	s16 =	sld [smem:$0x3FFB];
	_ =	sdelay $0x3  }
0x8f: {  	_ =	strace s16  }
0x90: {  	s1 =	sld [smem:$0x3FFC];
	_ =	sdelay $0x3  }
0x91: {  	_ =	strace s1  }
0x92: {  	s1 =	sld [smem:$0x3FFD];
	_ =	sdelay $0x3  }
0x93: {  	_ =	strace s1  }
0x94: {  	_ =	strace $0x8FFFFFFF  }
0x95: {  	s17 =	sld [smem:$0x3FDB];
	_ =	sdelay $0x1  }
0x96: {  	s2 =	simm.s32 $_scs_section_size  }
0x97: {  	s3 =	simm.s32 $_size__tile_overlayer_lowered;
	s4 =	simm.s32 $_tile_overlayer_lowered  }
0x98: {  	s20 =	simm.s32 $0x1BFF;
	s19 =	sshll.u32 s4, $0x1;
	s1 =	sadd.s32 s2, s17  }
0x99: {  	s5 =	simm.s32 $0x0;
	s18 =	sshll.u32 s3, $0x1;
	s3 =	sadd.s32 s19, s1  }
0x9a: {  	[timem:s5], [sflag:s20] =	dma.local [hbm:s3], s18  }
0x9b: {  	_ =	swait.ge [sflag:s20], s18  }
0x9c: {  	s2 =	ssub.s32 $0x0, s18;
	[sflag:s20] =	ssyncset.done $0x0  }
0x9d: {  	[sflag:s20] =	ssyncadd.s32 s2;
	_ =	sdelay $0x1  }
0x9e: {  	s21 =	simm.s32 $0x1B8B  }
0x9f: {  	_ =	swait.ge [sflag:s21], $0x1  }
0xa0: {  	[sflag:s21] =	ssyncset.done $0x0  }
0xa1: {  	s23 =	simm.s32 $0x1B8E;
	s22 =	sld [smem:$0x3FFE];
	[sflag:s21] =	ssyncadd.s32 $0xFFFFFFFF  }
0xa2: {  	s24 =	simm.s32 $execute0_lowered;
	[smem:$0x3FD2] =	sst s23  }
0xa3: {  	s3 =	sshll.u32 s24, $0x1;
	_ =	strace $0x80000046;
	[dreg:$0x1] =	wrdreg $0xFFFFFFFF  }
0xa4: {  	s25 =	simm.s32 $_size_execute0_lowered;
	s1 =	sadd.s32 s1, s3;
	[dreg:$0x0] =	wrdreg $0x0  }
0xa5: {  	s3 =	sshll.u32 s25, $0x1;
	[dreg:$0x2] =	wrdreg s1  }
0xa6: {  	[dreg:$0x3] =	wrdreg s3  }
0xa7: {  	[dreg:$0x4] =	wrdreg $0xC0  }
0xa8: {  	_ =	task [dreg:s5], $0x5FFFF  }
0xa9: {  	[dreg:$0x1] =	wrdreg $0xFFFFFFFF  }
0xaa: {  	[dreg:$0x0] =	wrdreg $0x60  }
0xab: {  	[dreg:$0x2] =	wrdreg s0  }
0xac: {  	[dreg:$0x3] =	wrdreg s22  }
0xad: {  	[dreg:$0x4] =	wrdreg $0x9  }
0xae: {  	_ =	task.clear_ibuf [dreg:s5], $0x5FFFF;
	_ =	strace $0x90000046  }
0xaf: {  	s26 =	simm.s32 $0x9;
	_ =	strace $0x80000048  }
0xb0: {  	_ =	swait.ge [sflag:s26], $0x1  }
0xb1: {  	[sflag:s26] =	ssyncadd.s32 $0xFFFFFFFF  }
0xb2: {  	_ =	strace $0x90000048  }
0xb3: {  	_ =	sfence  }
0xb4: {  	s28 =	sld [smem:$0x0];
	_ =	sdelay $0x1  }
0xb5: {  	s29 =	srdreg.scid  }
0xb6: {  	s30 =	sshll.u32 s29, $0xD;
	s31 =	sshrl.u32 s29, $0x2  }
0xb7: {  	s2 =	sand.u32 $0x4000, s30;
	s1 =	sand.u32 $0x1, s29;
	s0 =	sadd.s32 s31, s28  }
0xb8: {  	s1 =	sor.u32 s2, s1;
	s0 =	sshll.u32 s0, $0x11  }
0xb9: {  	s0 =	sor.u32 s0, s1  }
0xba: {  	s0 =	sadd.s32 $0x8F2B, s0  }
0xbb: {  	[sflag:s0] =	ssyncadd.remote.s32 $0x1  }
0xbc: {  	_ =	sfence.sel $0xFFFF  }
0xbd: {  	[dreg:$0x0] =	wrdreg $0xFFFFFFFF;
	(pc) =	sbr.abs _section_cstart, $3  }
0xbe: {  	[dreg:$0x1] =	wrdreg $0xFFFFFFFF  }
0xbf: {  	_ =	task.clear_ibuf [dreg:s5], $0x2FFFF;
	_ =	strace $0x9FFFFFFF  }
0xc0: {  	(tm) =	ssettm $0x7FFFFFFF  }
0xc1: {  	_ =	shalt  }
tec
execute0_lowered:
.L_overlay_start_1:
0x0: {  	(tag) =	ssettag $0x1  }
0x1: {  	s1 =	rddreg [dreg:$0x0]  }
0x2: {  	s3 =	rddreg [dreg:$0x1]  }
0x3: {  	s0 =	rddreg [dreg:$0x2];
	_ =	strace $0x80000047;
	s2 =	simm.s32 $0x1  }
0x4: {  	v1 =	vimm.s32 $0xFFFFFFFF;
	[sflag:s2] =	ssyncpa.u1 $0x0  }
0x5: {  	[tilespmem:$0x10] =	vst v1  }
0x6: {  	v0 =	vimm.s32 $0x80000000;
	[tilespmem:$0x20] =	vst v1  }
0x7: {  	[tilespmem:$0x30] =	vst v0  }
0x8: {  	[tilespmem:$0x40] =	vst v0  }
0x9: {  	s31 =	simm.s32 $0x2;
	[tilespmem:$0x50] =	vst v0  }
0xa: {  	s5 =	simm.s32 $0x7;
	s7 =	simm.s32 $0x8;
	s10 =	simm.s32 $0x9;
	[tilespmem:$0x60] =	vst v1  }
0xb: {  	s13 =	simm.s32 $0x0;
	s14 =	simm.s32 $0x100;
	s15 =	simm.s32 $0x130;
	[tilespmem:$0x70] =	vst v1  }
0xc: {  	s16 =	simm.s32 $0x150;
	s17 =	simm.s32 $0xF;
	s18 =	simm.s32 $0x30;
	[tilespmem:$0x80] =	vst v1  }
0xd: {  	s19 =	simm.s32 $0x0;
	s20 =	simm.s32 $0x0;
	s23 =	simm.s32 $0x0;
	v1 =	vimm.s32 $0x0;
	[tilespmem:$0xB0] =	vst v0  }
.Ltmp0:
0xe: {  	s21 =	simm.s32 $0x0;
	s2 =	stileid.u32;
	[tilespmem:$0x90] =	vst v1;
	(pc) =	sbr.rel .LBB2_1-.Ltmp0, $4  }
0xf: {  	s4 =	sadd.s32 $0x200, s3;
	s6 =	sshll.u32 s2, $0x4;
	[tilespmem:$0xA0] =	vst v1;
	[sflag:s31] =	ssyncpa.u1 $0x0  }
0x10: {  	s8 =	sshll.u32 s2, $0x1;
	s11 =	sshllo.u32 s2, $0x1;
	[sflag:s5] =	ssyncpa.u1 $0x0  }
0x11: {  	vm0 =	vmmov $0xffff;
	s9 =	sadd.s32 $0x10, s6;
	s12 =	sor.u32 $0x80, s8;
	[sflag:s7] =	ssyncpa.u1 $0x0  }
0x12: {  	v2 =	vlaneseq.u32;
	vm1 =	vmxor vm1, vm1;
	vm2 =	vmmov $0x1;
	s22 =	smov.u32 s6;
	[sflag:s10] =	ssyncpa.u1 $0x0;
	s10 =	sor.u32 $0x81, s8  }
.LBB2_7:
0x13: {  	_ =	swait.ge [sflag:s5], $0x10  }
0x14: {  	[sflag:s5] =	ssyncset.done $0x0  }
0x15: {  	[sflag:s5] =	ssyncadd.s32 $0xFFFFFFF0;
	(ifvalue) =	ssetifvalue $0xFFFFFFFF;
	v3 =	vld.msk [tilespmem:s14+$0x0 ss:$0x1], $0xffff;
	_ =	sdelay $0x4  }
0x16: {  	vm3 =	veq.s32 v3, $0x80000000;
	v4 =	vand.u32 $0x1, v3;
	v3 =	vshrl.u32 v3, $0x1  }
0x17: {  	v4 =	vsel vm3, $0xFFFFFFFF, v4;
	v3 =	vand.u32 $0x3FF, v3  }
0x18: {  	v3 =	vsel vm3, $0xFFFFFFFF, v3;
	v5 =	vshrl.u32 v4, $0x1  }
0x19: {  	v4 =	vshll.u32 v4, $0x7;
	v5 =	vmul.u32 $0x500, v5;
	v6 =	vshll.u32 v3, $0x1  }
0x1a: {  	v3 =	vand.u32 $0x7F, v3;
	v4 =	vand.u32 $0x80, v4;
	v6 =	vand.u32 $0xFFFFFF00, v6  }
0x1b: {  	v3 =	vor.u32 v3, v4;
	v5 =	vadd.s32 v5, v6  }
0x1c: {  	v3 =	vor.u32 v5, v3  }
0x1d: {  	v59 =	vperm.xlane v3, v1  }
0x1e: {  	vm3 =	vlt.u32 v5, $0x500  }
0x1f: {  	v3 =	vnsel vm3, $0xFFFFFFFE, v3;
	vm3 =	vlt.u32 v59, $0x500  }
0x20: {  	[tilespmem:$0x70] =	vst v3;
	v3 =	vnsel vm3, $0xFFFFFFFE, v59  }
0x21: {  	[tilespmem:$0x80] =	vst v3  }
0x22: {  	v3 =	vld.msk [tilespmem:s14+$0x0 ss:$0x1], $0xffff;
	_ =	sdelay $0x4  }
0x23: {  	vm3 =	veq.s32 v3, $0x80000000;
	v60 =	vand.u32 $0x1, v3;
	v3 =	vshrl.u32 v3, $0x1  }
0x24: {  	v4 =	vsel vm3, $0xFFFFFFFF, v60;
	v3 =	vand.u32 $0x3FF, v3  }
0x25: {  	v3 =	vsel vm3, $0xFFFFFFFF, v3;
	v61 =	vshrl.u32 v4, $0x1  }
0x26: {  	v4 =	vshll.u32 v4, $0x7;
	v5 =	vmul.u32 $0x500, v61;
	v62 =	vshll.u32 v3, $0x1  }
0x27: {  	v3 =	vand.u32 $0x7F, v3;
	v4 =	vand.u32 $0x80, v4;
	v6 =	vand.u32 $0xFFFFFF00, v62  }
0x28: {  	v3 =	vor.u32 v3, v4;
	v5 =	vadd.s32 v5, v6  }
0x29: {  	v3 =	vor.u32 v5, v3  }
0x2a: {  	(xrf1) =	vunique.msk.u32 $0xffff, v3;
	_ =	sdelay $0xd  }
0x2b: {  	v63, _, _ =	vpop (xrf1)  }
0x2c: {  	vm4 =	vne.s32 v3, $0xFFFFFFFF;
	vm3 =	veq.s32 v63, v2  }
0x2d: {  	vm5 =	vlt.u32 v5, $0x500;
	vm3 =	vmand vm4, vm3  }
0x2e: {  	vm3 =	vmand vm5, vm3  }
0x2f: {  	v3 =	vnsel vm3, $0xFFFFFFFF, v3;
	_ =	sdelay $0x3  }
0x30: {  	s23 =	sshrl.u32 s23, $0x3;
	(ifvalue) =	ssetifvalue $0xFFFFFFFF  }
0x31: {  	[tilespmem:s15], [sflag:$0x8] =	stream.indirect_vreg.gather [hbm4b:s1+s13], $0x1, v3, vm0, $0x4038;
	v3 =	vnsel vm5, $0xFFFFFFFE, v3;
	[tilespmem:$0x1B0] =	vst v63  }
0x32: {  	s23 =	sadd.s32 s4, s23;
	[tilespmem:$0x100] =	vst v3  }
0x33: {  	[tilespmem:s16], [sflag:$0x8] =	stream.linear.gather [hbm:s23], $0x10, $0x38;
	[tilespmem:$0x1B0] =	vst v63  }
.LBB2_8:
0x34: {  	s23 =	sadd.s32 $0x10, s22  }
0x35: {  	s24 =	smov.u32 s6;
	s19 =	sadd.s32 $0x40, s19;
	p0 =	slt.s32 s23, s9  }
0x36: {  	s24 =	smov.u32 @p0 s23;
	p0 =	sne.s32 s19, $0x100  }
.Ltmp1:
0x37: {  	_ = 	snop;
	(pc) =	sbr.rel @!p0 .LBB2_9-.Ltmp1, $3  }
0x38: {  	_ =	sdelay $0x1  }
0x39: {  	s21 =	sadd.s32 $0x1, s21  }
0x3a: {  	s20 =	sadd.s32 $0x10, s20;
	s23 =	smov.u32 s22;
	s22 =	smov.u32 s24  }
.LBB2_1:
0x3b: {  	p0 =	seq.s32 s21, $0x1  }
.Ltmp2:
0x3c: {  	_ = 	snop;
	(pc) =	sbr.rel @p0 .LBB2_7-.Ltmp2, $1  }
0x3d: {  	_ =	sdelay $0x3  }
0x3e: {  	p0 =	sne.s32 s21, $0x0  }
.Ltmp3:
0x3f: {  	_ = 	snop;
	(pc) =	sbr.rel @p0 .LBB2_4-.Ltmp3, $1  }
0x40: {  	_ =	sdelay $0x3  }
.Ltmp4:
0x41: {  	(pc) =	sbr.rel .LBB2_8-.Ltmp4, $4  }
0x42: {  	_ = 	snop  }
0x43: {  	s23 =	sshrl.u32 s22, $0x3  }
0x44: {  	s24 =	sand.u32 $0x7, s22;
	s23 =	sadd.s32 s3, s23  }
0x45: {  	[tilespmem:s14], [sflag:$0x7] =	stream.linear.gather [hbm4b:s23+s24], $0x10, $0x38;
	[tilespmem:$0x1B0] =	vst v63  }
.LBB2_4:
0x46: {  	p0 =	seq.s32 s19, $0xC0  }
.Ltmp5:
0x47: {  	_ = 	snop;
	(pc) =	sbr.rel @p0 .LBB2_6-.Ltmp5, $1  }
0x48: {  	_ =	sdelay $0x3  }
0x49: {  	p0 =	sne.s32 s19, $0x80;
	_ =	swait.ge [sflag:s7], $0x20  }
0x4a: {  	[sflag:s7] =	ssyncset.done $0x0;
	s23 =	sshra.s32 @!p0 s19, $0x2  }
0x4b: {  	s24 =	simm.s32 @!p0 $0x1;
	[sflag:s7] =	ssyncadd.s32 $0xFFFFFFE0;
	s23 =	sadd.s32 @!p0 $0xEF, s23  }
0x4c: {  	[spmem:s10] =	stream.linear.scatter @!p0 [tilespmem:s23], [sflag:$0x1], $0x1, $0x38;
	[tilespmem:$0x1B0] =	vst v63  }
0x4d: {  	_ =	swait.ge @!p0 [sflag:s24], $0x1  }
0x4e: {  	[sflag:s24] =	ssyncset.done @!p0 $0x0  }
0x4f: {  	s23 =	sand.u32 $0x10, s20;
	[sflag:s24] =	ssyncadd.s32 @!p0 $0xFFFFFFFF  }
0x50: {  	s26 =	sxor.u32 $0x10, s23;
	v3 =	vld [tilespmem:s23+$0x10]  }
0x51: {  	v4 =	vld [tilespmem:s26+$0x60]  }
0x52: {  	v5 =	vld [tilespmem:$0x80];
	_ =	sdelay $0x2  }
0x53: {  	(v2sf) =	vpush v3, $0x0  }
0x54: {  	(v2sf) =	vpush v4, $0x0  }
0x55: {  	(v2sf) =	vpush v5, $0x0;
	_ =	sdelay $0xc  }
0x56: {  	s28 =	spop (v2sf)  }
0x57: {  	s29 =	spop (v2sf)  }
0x58: {  	s25 =	spop (v2sf)  }
0x59: {  	p1 =	seq.s32 s28, s29;
	p2 =	seq.s32 s25, s28  }
0x5a: {  	p2 =	por p1, p2  }
0x5b: {  	v3 =	vpsel p2, $0xFFFFFFFF, v3  }
0x5c: {  	v58 =	vld [tilespmem:s23+$0x150];
	[tilespmem:s23+$0x10] =	vst.msk $0x1, v3  }
0x5d: {  	v3 =	vld [tilespmem:$0x30]  }
0x5e: {  	v6 =	vld [tilespmem:s23+$0x40];
	_ =	sdelay $0x3  }
0x5f: {  	vm3 =	vmmov vm1;
	vm5 =	vmmov vm2;
	vm4 =	vgt.s32 v3, v58  }
0x60: {  	vm3 =	vmmov @p1 vm2;
	vm11 =	vgt.s32 v3, v6;
	v4 =	vsel vm4, v3, v58  }
0x61: {  	vm5 =	vmmov @p2 vm1;
	v3 =	vsel vm11, v3, v6;
	[tilespmem:s23+$0x150] =	vst.msk vm3, v4  }
0x62: {  	[tilespmem:s23+$0x190] =	vst.msk vm5, v3  }
0x63: {  	v3 =	vld [tilespmem:s23+$0x130];
	_ =	sdelay $0x4  }
0x64: {  	v3 =	vshift.insert v3, v1, s17  }
0x65: {  	s29 =	sor.u32 $0x40, s26  }
0x66: {  	[tilespmem:s29+$0x0] =	vst.msk $0x1, v3  }
0x67: {  	s30 =	sshra.s32 s19, $0x2;
	[tilespmem:s23+$0x13F] =	vst.msk $0x1, v0  }
0x68: {  	v3 =	vld [tilespmem:s30+$0xE0];
	_ =	sdelay $0x4  }
0x69: {  	v3 =	vshift.insert v3, v1, s17;
	_ =	sdelay $0x1  }
0x6a: {  	[tilespmem:s26+$0x10] =	vst.msk $0x1, v3  }
0x6b: {  	v4 =	vld [tilespmem:s30+$0xE0]  }
0x6c: {  	v59 =	vld [tilespmem:s23+$0x150];
	_ =	sdelay $0x4  }
0x6d: {  	vm3 =	vne.s32 v4, $0xFFFFFFFF;
	v6 =	vxor.u32 $0x80000000, v59  }
0x6e: {  	(xrf0) =	vmax.seg.scan.u32 vm3, v6;
	_ =	sdelay $0x1  }
0x6f: {  	v60 =	vperm.xlane v3, v1  }
0x70: {  	v7 =	vld [tilespmem:s23+$0x130]  }
0x71: {  	vm12 =	veq.s32 v4, v60;
	vm3 =	veq.s32 v4, v5  }
0x72: {  	vm13 =	vgt.u32 v4, $0xFFFFFFFD;
	vm4 =	vmor vm12, vm3  }
0x73: {  	vm4 =	vmor vm4, vm13;
	v61, _, _ =	vpop (xrf0)  }
0x74: {  	v4 =	vsel vm4, $0xFFFFFFFF, v4;
	v5 =	vxor.u32 $0x80000000, v61  }
0x75: {  	vm14 =	vgt.s32 v5, v7  }
0x76: {  	v7 =	vsel vm14, v5, v7  }
0x77: {  	v62 =	vld [tilespmem:$0xA0];
	v7 =	vsel vm3, v5, v7  }
0x78: {  	s31 =	sadd.s32 $0x170, s23;
	v8 =	vld [tilespmem:$0x90];
	[tilespmem:s23+$0x170] =	vst v7;
	(ifvalue) =	ssetifvalue $0xFFFFFFFF  }
0x79: {  	[hbm4b:s1+s13] =	stream.indirect_vreg.scatter [tilespmem:s31], [sflag:$0x2], $0x1, v4, vm0, $0x4038;
	[tilespmem:$0x1B0] =	vst v63  }
0x7a: {  	v4 =	vld [tilespmem:s23+$0x170];
	_ =	sdelay $0x4  }
0x7b: {  	v4 =	vshift.insert v4, v1, s17  }
0x7c: {  	vm15 =	veq.s32 v62, $0x1  }
0x7d: {  	vm4 =	vmor vm15, vm3;
	v5 =	vsel vm3, v5, v8;
	[tilespmem:s18+$0x0] =	vst.msk $0x1, v4  }
0x7e: {  	v63 =	vsel vm4, $0x1, v1;
	[tilespmem:$0x90] =	vst v5  }
0x7f: {  	s26 =	sadd.s32 @!p0 $0x17F, s23;
	[tilespmem:$0xA0] =	vst v63  }
0x80: {  	[spmem:s11] =	stream.linear.scatter @!p0 [tilespmem:s26], [sflag:$0x1], $0x1, $0x38;
	[tilespmem:$0x1B0] =	vst v63  }
0x81: {  	v4 =	vmctz.xlane @!p0 vm4;
	_ =	swait.ge @!p0 [sflag:s24], $0x1  }
0x82: {  	(v2sf) =	vpush @!p0 v3, $0x0  }
0x83: {  	(v2sf) =	vpush @!p0 v4, $0x0;
	_ =	sdelay $0xd  }
0x84: {  	s26 =	spop @!p0 (v2sf)  }
0x85: {  	s28 =	spop @!p0 (v2sf)  }
0x86: {  	p1 =	sne.s32 @!p0 s25, s26;
	p2 =	slt.s32 @!p0 s28, $0xF  }
0x87: {  	[sflag:s24] =	ssyncset.done @!p0 $0x0;
	p1 =	por p1, p0;
	p2 =	por !p2, p0  }
0x88: {  	[sflag:s24] =	ssyncadd.s32 @!p0 $0xFFFFFFFF;
	v3 =	vimm.s32 @!p1 $0xFFFFFFFF;
	s28 =	simm.s32 @p2 $0xF  }
0x89: {  	[tilespmem:$0x80] =	vst @!p1 v3;
	s25 =	sadd.s32 @!p0 $0x90, s28  }
0x8a: {  	[spmem:s8] =	stream.linear.scatter @!p0 [tilespmem:s25], [sflag:$0x1], $0x1, $0x38;
	[tilespmem:$0x1B0] =	vst v63  }
0x8b: {  	_ =	swait.ge @!p0 [sflag:s24], $0x1  }
0x8c: {  	[sflag:s24] =	ssyncset.done @!p0 $0x0  }
0x8d: {  	s25 =	simm.s32 @!p0 $0x80;
	[sflag:s24] =	ssyncadd.s32 @!p0 $0xFFFFFFFF  }
0x8e: {  	[spmem:s12] =	stream.linear.scatter @!p0 [tilespmem:s25], [sflag:$0x1], $0x1, $0x38;
	[tilespmem:$0x1B0] =	vst v63  }
0x8f: {  	_ =	swait.ge @!p0 [sflag:s24], $0x1  }
0x90: {  	[sflag:s24] =	ssyncset.done @!p0 $0x0  }
0x91: {  	[sflag:s24] =	ssyncadd.s32 @!p0 $0xFFFFFFFF;
	(ifvalue) =	ssetifvalue $0xFFFFFFFF;
	v3 =	vld [tilespmem:s23+$0x10];
	_ =	sdelay $0x3  }
.Ltmp6:
0x92: {  	_ = 	snop;
	(pc) =	sbr.rel .LBB2_8-.Ltmp6, $3  }
0x93: {  	_ =	sdelay $0x1  }
0x94: {  	s23 =	sadd.s32 $0x190, s23;
	(ifvalue) =	ssetifvalue $0xFFFFFFFF  }
0x95: {  	[hbm4b:s1+s13] =	stream.indirect_vreg.scatter [tilespmem:s23], [sflag:$0x9], $0x1, v3, vm0, $0x4038;
	[tilespmem:$0x1B0] =	vst v63  }
.LBB2_6:
0x96: {  	s3 =	simm.s32 $0x2  }
0x97: {  	_ =	swait.ge [sflag:s3], $0x10  }
0x98: {  	[sflag:s3] =	ssyncset.done $0x0  }
0x99: {  	s31 =	simm.s32 $0x9;
	[sflag:s3] =	ssyncadd.s32 $0xFFFFFFF0  }
0x9a: {  	_ =	swait.ge [sflag:s31], $0x10  }
0x9b: {  	[sflag:s31] =	ssyncset.done $0x0  }
0x9c: {  	[sflag:s31] =	ssyncadd.s32 $0xFFFFFFF0  }
.LBB2_9:
0x9d: {  	_ =	sfence.sel $0x180000  }
0x9e: {  	s3 =	simm.s32 $0x7;
	[bflag:$0x0] =	sbarrier.arrive $0xFFFF  }
0x9f: {  	s26 =	simm.s32 $0x8;
	[sflag:s3] =	ssyncpa.u1 $0x1  }
0xa0: {  	s28 =	simm.s32 $0x9;
	[sflag:s26] =	ssyncpa.u1 $0x1  }
0xa1: {  	[sflag:s28] =	ssyncpa.u1 $0x1  }
0xa2: {  	_ =	sfence.stream.spmem  }
0xa3: {  	s29 =	simm.s32 $0x3;
	[bflag:$0x0] =	sbarrier.arrive $0xFFFF  }
0xa4: {  	s30 =	simm.s32 $0x4;
	[sflag:s29] =	ssyncpa.u1 $0x1  }
0xa5: {  	s31 =	simm.s32 $0x3C;
	[sflag:s30] =	ssyncpa.u1 $0x1  }
0xa6: {  	p0 =	sne.s32 s2, $0x0;
	[sflag:s31] =	ssyncpa.u1 $0x1  }
0xa7: {  	s0 =	simm.s32 @p0 $0x1;
	_ =	sfence @p0  }
0xa8: {  	[sflag:s0] =	ssyncpa.u1 @p0 $0x1;
	s0 =	simm.s32 @p0 $0x2  }
0xa9: {  	[sflag:s0] =	ssyncpa.u1 @p0 $0x1  }
0xaa: {  	_ =	strace @p0 $0x90000047  }
0xab: {  	[bflag:$0x2] =	sbarrier.arrive @p0 $0xFFFF  }
0xac: {  	_ =	shalt @p0  }
.LBB2_10:
0xad: {  	_ =	sfence.stream.spmem;
	s3 =	simm.s32 $0x5  }
0xae: {  	s2 =	simm.s32 $0x80;
	s4 =	simm.s32 $0xC0;
	[sflag:s3] =	ssyncpa.u1 $0x0  }
0xaf: {  	[tilespmem:s4], [sflag:$0x5] =	stream.linear.gather [spmem:s2], $0x20, $0x38;
	[tilespmem:$0x1B0] =	vst v63  }
0xb0: {  	s30 =	simm.s32 $0xE0;
	s2 =	simm.s32 $0x0  }
0xb1: {  	[tilespmem:s30], [sflag:$0x5] =	stream.linear.gather [spmem:s2], $0x20, $0x38;
	[tilespmem:$0x1B0] =	vst v63  }
.Ltmp7:
0xb2: {  	_ = 	snop;
	(pc) =	sbr.rel .LBB2_11-.Ltmp7, $4  }
0xb3: {  	_ =	swait.ge [sflag:s3], $0x40  }
0xb4: {  	[sflag:s3] =	ssyncset.done $0x0  }
0xb5: {  	s31 =	simm.s32 $0x6;
	[sflag:s3] =	ssyncadd.s32 $0xFFFFFFC0  }
0xb6: {  	s3 =	simm.s32 $0x0;
	[sflag:s31] =	ssyncpa.u1 $0x0  }
.LBB2_16:
0xb7: {  	p0 =	sgt.u32 s4, $0x4FF  }
0xb8: {  	s5 =	sshrl.u32 @!p0 s4, $0x3  }
0xb9: {  	s4 =	sand.u32 @!p0 $0x7, s4;
	s6 =	simm.s32 @!p0 $0xB0;
	s5 =	sadd.s32 @!p0 s1, s5  }
0xba: {  	[tilespmem:s6], [sflag:$0x6] =	stream.linear.gather @!p0 [hbm4b:s5+s4], $0x1, $0x38;
	[tilespmem:$0x1B0] =	vst v63  }
0xbb: {  	s4 =	simm.s32 @!p0 $0x6  }
0xbc: {  	_ =	swait.ge @!p0 [sflag:s4], $0x1  }
0xbd: {  	[sflag:s4] =	ssyncset.done @!p0 $0x0  }
0xbe: {  	[sflag:s4] =	ssyncadd.s32 @!p0 $0xFFFFFFFF  }
0xbf: {  	v1 =	vld.msk @!p0 [tilespmem:$0xB0], $0x1  }
0xc0: {  	v2 =	vld.msk @!p0 [tilespmem:s3+$0xE0], $0x1;
	_ =	sdelay $0x4  }
0xc1: {  	vm0 =	vgt.s32 @!p0 v2, v1  }
0xc2: {  	v1 =	vsel @!p0 vm0, v2, v1  }
0xc3: {  	[tilespmem:s3+$0xE0] =	vst.msk @!p0 $0x1, v1  }
0xc4: {  	[tilespmem:s2+$0xC0] =	vst.msk $0x1, v0  }
0xc5: {  	v0 =	vld.msk [tilespmem:s3+$0xE0], $0x1;
	_ =	sdelay $0x4  }
0xc6: {  	[tilespmem:s2+$0xE0] =	vst.msk $0x1, v0;
	s2 =	sadd.s32 $0x1, s2  }
.LBB2_18:
0xc7: {  	s3 =	sadd.s32 $0x1, s3  }
0xc8: {  	p0 =	sne.s32 s3, $0x20  }
.Ltmp8:
0xc9: {  	_ = 	snop;
	(pc) =	sbr.rel @!p0 .LBB2_19-.Ltmp8, $1  }
0xca: {  	_ =	sdelay $0x3  }
.LBB2_11:
0xcb: {  	v0 =	vld.msk [tilespmem:s3+$0xC0], $0x1;
	_ =	sdelay $0x4  }
0xcc: {  	(v2sf) =	vpush v0, $0x0;
	_ =	sdelay $0xe  }
0xcd: {  	s4 =	spop (v2sf)  }
0xce: {  	p0 =	seq.s32 s4, $0xFFFFFFFF  }
.Ltmp9:
0xcf: {  	_ = 	snop;
	(pc) =	sbr.rel @p0 .LBB2_18-.Ltmp9, $1  }
0xd0: {  	_ =	sdelay $0x3  }
0xd1: {  	p0 =	slt.s32 s2, $0x1  }
.Ltmp10:
0xd2: {  	_ = 	snop;
	(pc) =	sbr.rel @p0 .LBB2_16-.Ltmp10, $1  }
0xd3: {  	_ =	sdelay $0x3  }
0xd4: {  	s5 =	simm.s32 $0xC0;
	p0 =	por $0x0, $0x0  }
0xd5: {  	v1 =	vld.msk @!p0 [tilespmem:s5+$0x0], $0x1;
	_ =	sdelay $0x4  }
0xd6: {  	(v2sf) =	vpush @!p0 v1, $0x0;
	_ =	sdelay $0xd  }
0xd7: {  	p2 =	sne.s32 s2, $0x1  }
.Ltmp11:
0xd8: {  	s6 =	spop @!p0 (v2sf);
	(pc) =	sbr.rel @!p2 .LBB2_15-.Ltmp11, $4  }
0xd9: {  	p1 =	seq.s32 @!p0 s4, s6  }
0xda: {  	s6 =	simm.s32 $0x0;
	p1 =	por !p1, p0  }
0xdb: {  	s8 =	simm.s32 $0xFFFFFFFF;
	s6 =	simm.s32 @p1 $0xFFFFFFFF  }
0xdc: {  	s7 =	simm.s32 $0x1;
	s6 =	smov.u32 @p0 s8  }
.LBB2_14:
0xdd: {  	s8 =	smov.u32 s6;
	p0 =	sne.s32 s6, $0xFFFFFFFF  }
0xde: {  	s5 =	sadd.s32 $0x1, s5;
	s6 =	smov.u32 s7;
	s7 =	sadd.s32 $0x1, s7  }
0xdf: {  	p1 =	sne.s32 s2, s7;
	v1 =	vld.msk @!p0 [tilespmem:s5+$0x0], $0x1;
	_ =	sdelay $0x4  }
0xe0: {  	(v2sf) =	vpush @!p0 v1, $0x0;
	_ =	sdelay $0xe  }
.Ltmp12:
0xe1: {  	s9 =	spop @!p0 (v2sf);
	(pc) =	sbr.rel @p1 .LBB2_14-.Ltmp12, $4  }
0xe2: {  	p2 =	seq.s32 @!p0 s4, s9  }
0xe3: {  	p2 =	por !p2, p0  }
0xe4: {  	s6 =	simm.s32 @p2 $0xFFFFFFFF  }
0xe5: {  	s6 =	smov.u32 @p0 s8  }
.LBB2_15:
0xe6: {  	p0 =	sne.s32 s6, $0xFFFFFFFF  }
.Ltmp13:
0xe7: {  	_ = 	snop;
	(pc) =	sbr.rel @!p0 .LBB2_16-.Ltmp13, $1  }
0xe8: {  	_ =	sdelay $0x3  }
0xe9: {  	v0 =	vld.msk [tilespmem:s3+$0xE0], $0x1  }
0xea: {  	v1 =	vld.msk [tilespmem:s6+$0xE0], $0x1;
	_ =	sdelay $0x2  }
.Ltmp14:
0xeb: {  	_ = 	snop;
	(pc) =	sbr.rel .LBB2_18-.Ltmp14, $4  }
0xec: {  	_ = 	snop  }
0xed: {  	vm0 =	vgt.s32 v1, v0  }
0xee: {  	v0 =	vsel vm0, v1, v0  }
0xef: {  	[tilespmem:s6+$0xE0] =	vst.msk $0x1, v0  }
.LBB2_19:
0xf0: {  	p0 =	slt.s32 s2, $0x1  }
.Ltmp15:
0xf1: {  	_ = 	snop;
	(pc) =	sbr.rel @p0 .LBB2_23-.Ltmp15, $3  }
0xf2: {  	_ =	sdelay $0x1  }
0xf3: {  	s3 =	simm.s32 $0x6  }
0xf4: {  	[sflag:s3] =	ssyncpa.u1 $0x1;
	s3 =	simm.s32 $0x0  }
0xf5: {  	s4 =	simm.s32 $0xC0  }
0xf6: {  	v0 =	vld.msk [tilespmem:s4+$0x0], $0x1;
	_ =	sdelay $0x4  }
0xf7: {  	(v2sf) =	vpush v0, $0x0;
	_ =	sdelay $0xe  }
0xf8: {  	s2 =	sadd.s32 $0xFFFFFFFF, s2;
	s5 =	spop (v2sf)  }
0xf9: {  	p1 =	sne.s32 s2, $0x0;
	p0 =	sgt.u32 s5, $0x4FF  }
.Ltmp16:
0xfa: {  	s6 =	sshrl.u32 @!p0 s5, $0x3;
	(pc) =	sbr.rel @!p1 .LBB2_22-.Ltmp16, $4  }
0xfb: {  	s4 =	simm.s32 $0xE0;
	s5 =	sand.u32 @!p0 $0x7, s5;
	s6 =	sadd.s32 @!p0 s1, s6  }
0xfc: {  	[hbm4b:s6+s5] =	stream.linear.scatter @!p0 [tilespmem:s4], [sflag:$0x5], $0x1, $0x38;
	[tilespmem:$0x1B0] =	vst v63  }
0xfd: {  	s6 =	simm.s32 $0x0  }
0xfe: {  	s5 =	simm.s32 $0xC1;
	s6 =	simm.s32 @!p0 $0x4  }
.LBB2_21:
0xff: {  	v0 =	vld.msk [tilespmem:s5+$0x0], $0x1;
	s2 =	sadd.s32 $0xFFFFFFFF, s2;
	s3 =	sadd.s32 s3, s6  }
0x100: {  	p0 =	sne.s32 s2, $0x0;
	_ =	sdelay $0x3  }
0x101: {  	(v2sf) =	vpush v0, $0x0;
	_ =	sdelay $0xe  }
.Ltmp17:
0x102: {  	s7 =	spop (v2sf);
	(pc) =	sbr.rel @p0 .LBB2_21-.Ltmp17, $4  }
0x103: {  	s6 =	simm.s32 $0x0;
	p1 =	sgt.u32 s7, $0x4FF  }
0x104: {  	s4 =	sadd.s32 $0x1, s4;
	s6 =	simm.s32 @!p1 $0x4;
	s8 =	sshrl.u32 @!p1 s7, $0x3  }
0x105: {  	s5 =	sadd.s32 $0x1, s5;
	s7 =	sand.u32 @!p1 $0x7, s7;
	s8 =	sadd.s32 @!p1 s1, s8  }
0x106: {  	[hbm4b:s8+s7] =	stream.linear.scatter @!p1 [tilespmem:s4], [sflag:$0x5], $0x1, $0x38;
	[tilespmem:$0x1B0] =	vst v63  }
.LBB2_22:
0x107: {  	s1 =	sadd.s32 s3, s6  }
0x108: {  	s3 =	sshrl.u32 s1, $0x2  }
.LBB2_23:
0x109: {  	s1 =	simm.s32 $0x5  }
0x10a: {  	_ =	swait.ge [sflag:s1], s3  }
0x10b: {  	s2 =	ssub.s32 $0x0, s3;
	[sflag:s1] =	ssyncset.done $0x0  }
0x10c: {  	[sflag:s1] =	ssyncadd.s32 s2  }
0x10d: {  	[sflag:s1] =	ssyncpa.u1 $0x1  }
0x10e: {  	s30 =	simm.s32 $0x1;
	_ =	sfence  }
0x10f: {  	s31 =	simm.s32 $0x2;
	[sflag:s30] =	ssyncpa.u1 $0x1  }
0x110: {  	[sflag:s31] =	ssyncpa.u1 $0x1  }
0x111: {  	_ =	strace $0x90000047  }
0x112: {  	s0 =	sadd.s32 $0x100000, s0;
	[bflag:$0x2] =	sbarrier.arrive $0xFFFF  }
0x113: {  	[sflag:s0] =	ssyncadd.tile.s32 $0x1;
	_ =	shalt  }
.Lfunc_end2:
_tile_overlayer_lowered:
.L_overlay_start_2:
0x114: {  	(tag) =	ssettag $0x2  }
0x115: {  	s0 =	rddreg [dreg:$0x0];
	s2 =	stileid.u32  }
0x116: {  	s1 =	rddreg [dreg:$0x1];
	p0 =	sne.s32 s2, $0x0  }
0x117: {  	s3 =	rddreg [dreg:$0x2];
	[bflag:$0x3] =	sbarrier.arrive $0xFFFF;
	s2 =	simm.s32 @!p0 $0x1C01  }
0x118: {  	[timem:s3], [sflag:s2] =	dma.local @!p0 [hbm:s0], s1  }
0x119: {  	s0 =	simm.s32 @!p0 $0x1  }
0x11a: {  	_ =	swait.ge @!p0 [sflag:s0], s1  }
0x11b: {  	s1 =	ssub.s32 @!p0 $0x0, s1;
	[sflag:s0] =	ssyncset.done @!p0 $0x0  }
0x11c: {  	[sflag:s0] =	ssyncadd.s32 @!p0 s1  }
0x11d: {  	[bflag:$0x3] =	sbarrier.arrive $0xFFFF  }
0x11e: {  	_ =	shalt  }

</sc_bundles>
